<compile_context>
chip_gen: v7x
topology: tpu7x:2x2x1
jax: 0.10.2.dev20260603
libtpu: 0.0.44.dev20260713+nightly
codegen_flags: <defaults>
</compile_context>

<pallas_src>
import functools

import jax
import jax.numpy as jnp
from jax import lax
from jax.experimental import pallas as pl
from jax.experimental.pallas import tpu as pltpu
from jax.experimental.pallas import tpu_sc as plsc

N = 10000
E = 320000
D = 128
G = 64
NC = 2
NS = 16
NW = NC * NS
L = 16

EPW0 = 9984
TAIL_BASE = NW * EPW0
TAIL_PER_TILE = 128


def _tc1_body(x_ref, w2t_ref, b_ref, srel_ref, sroot_ref):
    s2t = lax.dot_general(w2t_ref[...], x_ref[...], (((1,), (1,)), ((), ())),
                          preferred_element_type=jnp.float32,
                          precision=lax.Precision.HIGHEST)
    srel_ref[...] = s2t[0, :]
    sroot_ref[...] = s2t[1, :] + b_ref[0, 0]


def _tc1(x, w2t, b_rel):
    return pl.pallas_call(
        _tc1_body,
        out_shape=[
            jax.ShapeDtypeStruct((N,), jnp.float32),
            jax.ShapeDtypeStruct((N,), jnp.float32),
        ],
    )(x, w2t, b_rel)


def _sc_scatter_body(edge_hbm, srel_hbm, out_hbm, eslab_v, etail_v, srel_v,
                     acc_v, sem_e, sem_t, sem_s):
    wid = lax.axis_index("s") * NC + lax.axis_index("c")

    cp_e = pltpu.async_copy(edge_hbm.at[:, pl.ds(wid * EPW0, EPW0)],
                            eslab_v, sem_e)
    cp_s = pltpu.async_copy(srel_hbm, srel_v, sem_s)

    @pl.when(wid < 4)
    def _():
        pltpu.async_copy(
            edge_hbm.at[:, pl.ds(TAIL_BASE + wid * TAIL_PER_TILE,
                                 TAIL_PER_TILE)], etail_v, sem_t)

    @plsc.parallel_loop(0, N // L, unroll=8)
    def _(i):
        acc_v[pl.ds(i * L, L)] = jnp.zeros((L,), jnp.float32)

    cp_s.wait()
    cp_e.wait()

    @plsc.parallel_loop(0, EPW0 // L, unroll=8)
    def _(i):
        s = eslab_v[0, pl.ds(i * L, L)]
        d = eslab_v[1, pl.ds(i * L, L)]
        v = plsc.load_gather(srel_v, [s])
        plsc.addupdate_scatter(acc_v, [d], v)

    @pl.when(wid < 4)
    def _():
        pltpu.make_async_copy(
            edge_hbm.at[:, pl.ds(TAIL_BASE, TAIL_PER_TILE)],
            etail_v, sem_t).wait()

        def _tail(i, carry):
            s = etail_v[0, pl.ds(i * L, L)]
            d = etail_v[1, pl.ds(i * L, L)]
            v = plsc.load_gather(srel_v, [s])
            plsc.addupdate_scatter(acc_v, [d], v)
            return carry

        lax.fori_loop(0, TAIL_PER_TILE // L, _tail, 0, unroll=4)

    pltpu.sync_copy(acc_v, out_hbm.at[wid])


@functools.cache
def _sc_scatter():
    mesh = plsc.VectorSubcoreMesh(core_axis_name="c", subcore_axis_name="s",
                                  num_cores=NC, num_subcores=NS)
    return pl.kernel(
        _sc_scatter_body,
        out_type=jax.ShapeDtypeStruct((NW, N), jnp.float32),
        mesh=mesh,
        compiler_params=pltpu.CompilerParams(needs_layout_passes=False),
        scratch_types=[
            pltpu.VMEM((2, EPW0), jnp.int32),
            pltpu.VMEM((2, TAIL_PER_TILE), jnp.int32),
            pltpu.VMEM((N,), jnp.float32),
            pltpu.VMEM((N,), jnp.float32),
            pltpu.SemaphoreType.DMA,
            pltpu.SemaphoreType.DMA,
            pltpu.SemaphoreType.DMA,
        ],
    )


def _tc2_body(x_ref, part_ref, sroot_ref, batch_ref, out_ref):
    xconv = jnp.sum(part_ref[...], axis=0) + sroot_ref[...]
    b = batch_ref[...]
    seg = lax.broadcasted_iota(jnp.int32, (G, N), 0)
    mask = seg == b[None, :]
    neg = jnp.float32(-jnp.inf)
    xb = jnp.where(mask, xconv[None, :], neg)
    m = jnp.max(xb, axis=1)
    m = jnp.where(jnp.isfinite(m), m, 0.0)
    t = jnp.where(mask, xconv[None, :] - m[:, None], neg)
    e = jnp.exp(t)
    denom = jnp.sum(e, axis=1)
    scores = e / (denom[:, None] + 1e-16)
    out_ref[...] = jnp.dot(scores, x_ref[...],
                           preferred_element_type=jnp.float32)


def _tc2(x, part, sroot, batch):
    return pl.pallas_call(
        _tc2_body,
        out_shape=jax.ShapeDtypeStruct((G, D), jnp.float32),
    )(x, part, sroot, batch)


def kernel(x, W_rel, b_rel, W_root, edge_index, batch):
    w2t = jnp.concatenate([W_rel.reshape(1, D), W_root.reshape(1, D)], axis=0)
    srel, sroot = _tc1(x, w2t, b_rel.reshape(1, 1))
    part = _sc_scatter()(edge_index, srel)
    return _tc2(x, part, sroot, batch)

# --- scband reference (transcript-rebuilt; emitter-appended) ---
"""Pipeline reference for scband-global-attention-pool-4269197492817 (READ-ONLY COPY).

The authoritative reference and input builder live on the scoring server;
editing this copy changes nothing except your own understanding.
"""

import jax, jax.numpy as jnp
import numpy as np

N = 10000
E = 320000
D = 128
G = 64


def setup_inputs(seed: int = 0) -> dict:
    key = jax.random.key(seed)
    ks = jax.random.split(key, 5)
    x = jax.random.normal(ks[0], (N, D), dtype=jnp.float32)
    edge_index = jax.random.randint(ks[1], (2, E), 0, N, dtype=jnp.int32)
    batch = jnp.sort(jax.random.randint(ks[2], (N,), 0, G, dtype=jnp.int32))
    scale = 1.0 / np.sqrt(D)
    W_rel = jax.random.normal(ks[3], (D, 1), dtype=jnp.float32) * scale
    b_rel = jnp.zeros((1,), dtype=jnp.float32)
    W_root = jax.random.normal(ks[4], (D, 1), dtype=jnp.float32) * scale
    return {"x": x, "W_rel": W_rel, "b_rel": b_rel, "W_root": W_root,
            "edge_index": edge_index, "batch": batch}


def reference(x, W_rel, b_rel, W_root, edge_index, batch):
    # GraphConv(hidden_dim, 1): out = lin_rel(sum_{j in N(i)} x_j) + lin_root(x_i)
    src = edge_index[0]
    dst = edge_index[1]
    agg = jax.ops.segment_sum(x[src], dst, num_segments=N)  # scatter-add over edges
    x_conv = agg @ W_rel + b_rel + x @ W_root               # [N, 1]
    # segment softmax over nodes grouped by graph id (batch)
    seg_max = jax.ops.segment_max(x_conv, batch, num_segments=G)
    seg_max = jnp.where(jnp.isfinite(seg_max), seg_max, 0.0)
    e = jnp.exp(x_conv - seg_max[batch])
    denom = jax.ops.segment_sum(e, batch, num_segments=G)
    scores = e / (denom[batch] + 1e-16)                     # [N, 1]
    # global_add_pool(x * scores, batch)
    gx = jax.ops.segment_sum(x * scores, batch, num_segments=G)  # [G, D]
    return gx

if __name__ == "__main__":
    import jax
    _d = setup_inputs()
    print(jax.jit(kernel)(*tuple(_d.values())))

</pallas_src>

<mosaic_0001>
#map = affine_map<(d0, d1) -> (0, 0)>
#map1 = affine_map<(d0, d1) -> (0)>
module attributes {stable_mosaic.version = 14 : i64} {
  func.func @_sc_scatter_body(%arg0: i32, %arg1: i32, %arg2: memref<2x320000xi32, #tpu.memory_space<hbm>>, %arg3: memref<10000xf32, #tpu.memory_space<hbm>>, %arg4: memref<32x10000xf32, #tpu.memory_space<hbm>>, %arg5: memref<2x9984xi32, #tpu.memory_space<vmem>>, %arg6: memref<2x128xi32, #tpu.memory_space<vmem>>, %arg7: memref<10000xf32, #tpu.memory_space<vmem>>, %arg8: memref<10000xf32, #tpu.memory_space<vmem>>, %arg9: memref<!tpu.dma_semaphore, #tpu.memory_space<semaphore_mem>>, %arg10: memref<!tpu.dma_semaphore, #tpu.memory_space<semaphore_mem>>, %arg11: memref<!tpu.dma_semaphore, #tpu.memory_space<semaphore_mem>>) attributes {dimension_semantics = [#tpu.dimension_semantics<core_parallel>, #tpu.dimension_semantics<subcore_parallel>], iteration_bounds = array<i64: 2, 16>, scalar_prefetch = 0 : i64, scratch_operands = 7 : i64, tpu.core_type = #tpu.core_type<sc_vector_subcore>, window_params = [{transform_indices = #map}, {transform_indices = #map1}, {transform_indices = #map}]} {
    %mul3A = arith.constant 2 : i32
    %mul3A_0 = arith.muli %arg1, %mul3A : i32
    %add3A = arith.addi %mul3A_0, %arg0 : i32
    %mul3A_1 = arith.constant 9984 : i32
    %mul3A_2 = arith.muli %add3A, %mul3A_1 : i32
    %dma_start3A = arith.constant 0 : i32
    %dma_start3A_3 = tpu.memref_slice %arg2[%dma_start3A, %mul3A_2] : memref<2x320000xi32, #tpu.memory_space<hbm>> -> memref<2x9984xi32, #tpu.memory_space<hbm>>
    %dma_start3A_4 = arith.constant 0 : i32
    %dma_start3A_5 = tpu.memref_slice %arg2[%dma_start3A_4, %mul3A_2] : memref<2x320000xi32, #tpu.memory_space<hbm>> -> memref<2x9984xi32, #tpu.memory_space<hbm>>
    tpu.enqueue_dma source(%dma_start3A_5 : memref<2x9984xi32, #tpu.memory_space<hbm>>) target(%arg5 : memref<2x9984xi32, #tpu.memory_space<vmem>>) target_semaphore(%arg9 : memref<!tpu.dma_semaphore, #tpu.memory_space<semaphore_mem>>)
    tpu.enqueue_dma source(%arg3 : memref<10000xf32, #tpu.memory_space<hbm>>) target(%arg7 : memref<10000xf32, #tpu.memory_space<vmem>>) target_semaphore(%arg11 : memref<!tpu.dma_semaphore, #tpu.memory_space<semaphore_mem>>)
    %lt3A = arith.constant 4 : i32
    %lt3A_6 = arith.cmpi slt, %add3A, %lt3A : i32
    %convert_element_type3A = arith.extui %lt3A_6 : i1 to i32
    %cond3A = arith.constant 0 : i32
    %cond3A_7 = arith.cmpi ne, %convert_element_type3A, %cond3A : i32
    scf.if %cond3A_7 {
      %mul3A_21 = arith.constant 128 : i32
      %mul3A_22 = arith.muli %add3A, %mul3A_21 : i32
      %add3A_23 = arith.constant 319488 : i32
      %add3A_24 = arith.addi %add3A_23, %mul3A_22 : i32
      %dma_start3A_25 = arith.constant 0 : i32
      %dma_start3A_26 = tpu.memref_slice %arg2[%dma_start3A_25, %add3A_24] : memref<2x320000xi32, #tpu.memory_space<hbm>> -> memref<2x128xi32, #tpu.memory_space<hbm>>
      %dma_start3A_27 = arith.constant 0 : i32
      %dma_start3A_28 = tpu.memref_slice %arg2[%dma_start3A_27, %add3A_24] : memref<2x320000xi32, #tpu.memory_space<hbm>> -> memref<2x128xi32, #tpu.memory_space<hbm>>
      tpu.enqueue_dma source(%dma_start3A_28 : memref<2x128xi32, #tpu.memory_space<hbm>>) target(%arg6 : memref<2x128xi32, #tpu.memory_space<vmem>>) target_semaphore(%arg10 : memref<!tpu.dma_semaphore, #tpu.memory_space<semaphore_mem>>)
    } else {
    }
    %parallel_loop3A = arith.constant 0 : i32
    %parallel_loop3A_8 = arith.constant 625 : i32
    %parallel_loop3A_9 = arith.constant 1 : i32
    scf.for %parallel_loop3A_21 = %parallel_loop3A to %parallel_loop3A_8 step %parallel_loop3A_9  : i32 {
      %parallel_loop3A_22 = arith.constant 0.000000e+00 : f32
      %parallel_loop3A_23 = vector.broadcast %parallel_loop3A_22 : f32 to vector<16xf32>
      %parallel_loop3A_24 = arith.constant 16 : i32
      %parallel_loop3A_25 = arith.muli %parallel_loop3A_21, %parallel_loop3A_24 : i32
      %parallel_loop3A_26 = arith.index_cast %parallel_loop3A_25 : i32 to index
      %parallel_loop3A_27 = tpu.vector_load %arg8[%parallel_loop3A_26] {strides = array<i32>} : memref<10000xf32, #tpu.memory_space<vmem>>, vector<16xf32>,
      tpu.vector_store %arg8[%parallel_loop3A_26], %parallel_loop3A_23 {strides = array<i32>} : memref<10000xf32, #tpu.memory_space<vmem>>, vector<16xf32>,
    } {sc.loop_unroll_factor = 8 : i64, sc.parallel_access}
    tpu.wait_dma2 semaphore(%arg11 : memref<!tpu.dma_semaphore, #tpu.memory_space<semaphore_mem>>) src(%arg3 : memref<10000xf32, #tpu.memory_space<hbm>>) dst(%arg7 : memref<10000xf32, #tpu.memory_space<vmem>>)
    %dma_wait3A = arith.constant 0 : i32
    %dma_wait3A_10 = tpu.memref_slice %arg2[%dma_wait3A, %mul3A_2] : memref<2x320000xi32, #tpu.memory_space<hbm>> -> memref<2x9984xi32, #tpu.memory_space<hbm>>
    %dma_wait3A_11 = arith.constant 0 : i32
    %dma_wait3A_12 = tpu.memref_slice %arg2[%dma_wait3A_11, %mul3A_2] : memref<2x320000xi32, #tpu.memory_space<hbm>> -> memref<2x9984xi32, #tpu.memory_space<hbm>>
    tpu.wait_dma2 semaphore(%arg9 : memref<!tpu.dma_semaphore, #tpu.memory_space<semaphore_mem>>) src(%dma_wait3A_12 : memref<2x9984xi32, #tpu.memory_space<hbm>>) dst(%arg5 : memref<2x9984xi32, #tpu.memory_space<vmem>>)
    %parallel_loop3A_13 = arith.constant 0 : i32
    %parallel_loop3A_14 = arith.constant 624 : i32
    %parallel_loop3A_15 = arith.constant 1 : i32
    scf.for %parallel_loop3A_21 = %parallel_loop3A_13 to %parallel_loop3A_14 step %parallel_loop3A_15  : i32 {
      %parallel_loop3A_22 = arith.constant 16 : i32
      %parallel_loop3A_23 = arith.muli %parallel_loop3A_21, %parallel_loop3A_22 : i32
      %parallel_loop3A_24 = arith.constant 0 : i32
      %parallel_loop3A_25 = arith.index_cast %parallel_loop3A_24 : i32 to index
      %parallel_loop3A_26 = arith.index_cast %parallel_loop3A_23 : i32 to index
      %parallel_loop3A_27 = tpu.vector_load %arg5[%parallel_loop3A_25, %parallel_loop3A_26] {strides = array<i32>} : memref<2x9984xi32, #tpu.memory_space<vmem>>, vector<16xi32>,
      %parallel_loop3A_28 = arith.constant 16 : i32
      %parallel_loop3A_29 = arith.muli %parallel_loop3A_21, %parallel_loop3A_28 : i32
      %parallel_loop3A_30 = arith.constant 1 : i32
      %parallel_loop3A_31 = arith.index_cast %parallel_loop3A_30 : i32 to index
      %parallel_loop3A_32 = arith.index_cast %parallel_loop3A_29 : i32 to index
      %parallel_loop3A_33 = tpu.vector_load %arg5[%parallel_loop3A_31, %parallel_loop3A_32] {strides = array<i32>} : memref<2x9984xi32, #tpu.memory_space<vmem>>, vector<16xi32>,
      %parallel_loop3A_34 = tpu.vector_load_idx %arg7[%parallel_loop3A_27] : memref<10000xf32, #tpu.memory_space<vmem>>[vector<16xi32>], vector<16xf32>,
      tpu.vector_store_idx %arg8[%parallel_loop3A_33], %parallel_loop3A_34 {add = true} : memref<10000xf32, #tpu.memory_space<vmem>>[vector<16xi32>], vector<16xf32>,
    } {sc.loop_unroll_factor = 8 : i64, sc.parallel_access}
    %lt3A_16 = arith.constant 4 : i32
    %lt3A_17 = arith.cmpi slt, %add3A, %lt3A_16 : i32
    %convert_element_type3A_18 = arith.extui %lt3A_17 : i1 to i32
    %cond3A_19 = arith.constant 0 : i32
    %cond3A_20 = arith.cmpi ne, %convert_element_type3A_18, %cond3A_19 : i32
    scf.if %cond3A_20 {
      %dma_wait3A_21 = arith.constant 0 : i32
      %dma_wait3A_22 = arith.constant 319488 : i32
      %dma_wait3A_23 = tpu.memref_slice %arg2[%dma_wait3A_21, %dma_wait3A_22] : memref<2x320000xi32, #tpu.memory_space<hbm>> -> memref<2x128xi32, #tpu.memory_space<hbm>>
      %dma_wait3A_24 = arith.constant 0 : i32
      %dma_wait3A_25 = arith.constant 319488 : i32
      %dma_wait3A_26 = tpu.memref_slice %arg2[%dma_wait3A_24, %dma_wait3A_25] : memref<2x320000xi32, #tpu.memory_space<hbm>> -> memref<2x128xi32, #tpu.memory_space<hbm>>
      tpu.wait_dma2 semaphore(%arg10 : memref<!tpu.dma_semaphore, #tpu.memory_space<semaphore_mem>>) src(%dma_wait3A_26 : memref<2x128xi32, #tpu.memory_space<hbm>>) dst(%arg6 : memref<2x128xi32, #tpu.memory_space<vmem>>)
      %scan3A = arith.constant 0 : i32
      %scan3A_27 = arith.constant 0 : i32
      %scan3A_28 = arith.constant 8 : i32
      %scan3A_29 = arith.addi %scan3A_27, %scan3A_28 : i32
      %scan3A_30 = arith.constant 4 : i32
      scf.for %scan3A_32 = %scan3A_27 to %scan3A_29 step %scan3A_30  : i32 {
        %mul3A_33 = arith.constant 16 : i32
        %mul3A_34 = arith.muli %scan3A_32, %mul3A_33 : i32
        %get3A = arith.constant 0 : i32
        %get3A_35 = arith.index_cast %get3A : i32 to index
        %get3A_36 = arith.index_cast %mul3A_34 : i32 to index
        %get3A_37 = tpu.vector_load %arg6[%get3A_35, %get3A_36] {strides = array<i32>} : memref<2x128xi32, #tpu.memory_space<vmem>>, vector<16xi32>,
        %mul3A_38 = arith.constant 16 : i32
        %mul3A_39 = arith.muli %scan3A_32, %mul3A_38 : i32
        %get3A_40 = arith.constant 1 : i32
        %get3A_41 = arith.index_cast %get3A_40 : i32 to index
        %get3A_42 = arith.index_cast %mul3A_39 : i32 to index
        %get3A_43 = tpu.vector_load %arg6[%get3A_41, %get3A_42] {strides = array<i32>} : memref<2x128xi32, #tpu.memory_space<vmem>>, vector<16xi32>,
        %gather3A = tpu.vector_load_idx %arg7[%get3A_37] : memref<10000xf32, #tpu.memory_space<vmem>>[vector<16xi32>], vector<16xf32>,
        tpu.vector_store_idx %arg8[%get3A_43], %gather3A {add = true} : memref<10000xf32, #tpu.memory_space<vmem>>[vector<16xi32>], vector<16xf32>,
        %scan3A_44 = arith.constant 1 : i32
        %scan3A_45 = arith.addi %scan3A_32, %scan3A_44 : i32
        %mul3A_46 = arith.constant 16 : i32
        %mul3A_47 = arith.muli %scan3A_45, %mul3A_46 : i32
        %get3A_48 = arith.constant 0 : i32
        %get3A_49 = arith.index_cast %get3A_48 : i32 to index
        %get3A_50 = arith.index_cast %mul3A_47 : i32 to index
        %get3A_51 = tpu.vector_load %arg6[%get3A_49, %get3A_50] {strides = array<i32>} : memref<2x128xi32, #tpu.memory_space<vmem>>, vector<16xi32>,
        %mul3A_52 = arith.constant 16 : i32
        %mul3A_53 = arith.muli %scan3A_45, %mul3A_52 : i32
        %get3A_54 = arith.constant 1 : i32
        %get3A_55 = arith.index_cast %get3A_54 : i32 to index
        %get3A_56 = arith.index_cast %mul3A_53 : i32 to index
        %get3A_57 = tpu.vector_load %arg6[%get3A_55, %get3A_56] {strides = array<i32>} : memref<2x128xi32, #tpu.memory_space<vmem>>, vector<16xi32>,
        %gather3A_58 = tpu.vector_load_idx %arg7[%get3A_51] : memref<10000xf32, #tpu.memory_space<vmem>>[vector<16xi32>], vector<16xf32>,
        tpu.vector_store_idx %arg8[%get3A_57], %gather3A_58 {add = true} : memref<10000xf32, #tpu.memory_space<vmem>>[vector<16xi32>], vector<16xf32>,
        %scan3A_59 = arith.constant 2 : i32
        %scan3A_60 = arith.addi %scan3A_32, %scan3A_59 : i32
        %mul3A_61 = arith.constant 16 : i32
        %mul3A_62 = arith.muli %scan3A_60, %mul3A_61 : i32
        %get3A_63 = arith.constant 0 : i32
        %get3A_64 = arith.index_cast %get3A_63 : i32 to index
        %get3A_65 = arith.index_cast %mul3A_62 : i32 to index
        %get3A_66 = tpu.vector_load %arg6[%get3A_64, %get3A_65] {strides = array<i32>} : memref<2x128xi32, #tpu.memory_space<vmem>>, vector<16xi32>,
        %mul3A_67 = arith.constant 16 : i32
        %mul3A_68 = arith.muli %scan3A_60, %mul3A_67 : i32
        %get3A_69 = arith.constant 1 : i32
        %get3A_70 = arith.index_cast %get3A_69 : i32 to index
        %get3A_71 = arith.index_cast %mul3A_68 : i32 to index
        %get3A_72 = tpu.vector_load %arg6[%get3A_70, %get3A_71] {strides = array<i32>} : memref<2x128xi32, #tpu.memory_space<vmem>>, vector<16xi32>,
        %gather3A_73 = tpu.vector_load_idx %arg7[%get3A_66] : memref<10000xf32, #tpu.memory_space<vmem>>[vector<16xi32>], vector<16xf32>,
        tpu.vector_store_idx %arg8[%get3A_72], %gather3A_73 {add = true} : memref<10000xf32, #tpu.memory_space<vmem>>[vector<16xi32>], vector<16xf32>,
        %scan3A_74 = arith.constant 3 : i32
        %scan3A_75 = arith.addi %scan3A_32, %scan3A_74 : i32
        %mul3A_76 = arith.constant 16 : i32
        %mul3A_77 = arith.muli %scan3A_75, %mul3A_76 : i32
        %get3A_78 = arith.constant 0 : i32
        %get3A_79 = arith.index_cast %get3A_78 : i32 to index
        %get3A_80 = arith.index_cast %mul3A_77 : i32 to index
        %get3A_81 = tpu.vector_load %arg6[%get3A_79, %get3A_80] {strides = array<i32>} : memref<2x128xi32, #tpu.memory_space<vmem>>, vector<16xi32>,
        %mul3A_82 = arith.constant 16 : i32
        %mul3A_83 = arith.muli %scan3A_75, %mul3A_82 : i32
        %get3A_84 = arith.constant 1 : i32
        %get3A_85 = arith.index_cast %get3A_84 : i32 to index
        %get3A_86 = arith.index_cast %mul3A_83 : i32 to index
        %get3A_87 = tpu.vector_load %arg6[%get3A_85, %get3A_86] {strides = array<i32>} : memref<2x128xi32, #tpu.memory_space<vmem>>, vector<16xi32>,
        %gather3A_88 = tpu.vector_load_idx %arg7[%get3A_81] : memref<10000xf32, #tpu.memory_space<vmem>>[vector<16xi32>], vector<16xf32>,
        tpu.vector_store_idx %arg8[%get3A_87], %gather3A_88 {add = true} : memref<10000xf32, #tpu.memory_space<vmem>>[vector<16xi32>], vector<16xf32>,
      }
      %scan3A_31 = arith.constant 8 : i32
    } else {
    }
    "tpu.region"() ({
      %run_scoped3A = tpu.sem_alloc : memref<!tpu.dma_semaphore, #tpu.memory_space<semaphore_mem>>
      %dma_start3A_21 = arith.constant 0 : i32
      %dma_start3A_22 = tpu.memref_slice %arg4[%add3A, %dma_start3A_21] : memref<32x10000xf32, #tpu.memory_space<hbm>> -> memref<1x10000xf32, #tpu.memory_space<hbm>>
      %dma_start3A_23 = tpu.memref_squeeze %dma_start3A_22 : memref<1x10000xf32, #tpu.memory_space<hbm>> -> memref<10000xf32, #tpu.memory_space<hbm>>
      %dma_start3A_24 = arith.constant 0 : i32
      %dma_start3A_25 = tpu.memref_slice %arg4[%add3A, %dma_start3A_24] : memref<32x10000xf32, #tpu.memory_space<hbm>> -> memref<1x10000xf32, #tpu.memory_space<hbm>>
      %dma_start3A_26 = tpu.memref_squeeze %dma_start3A_25 : memref<1x10000xf32, #tpu.memory_space<hbm>> -> memref<10000xf32, #tpu.memory_space<hbm>>
      tpu.enqueue_dma source(%arg8 : memref<10000xf32, #tpu.memory_space<vmem>>) target(%dma_start3A_26 : memref<10000xf32, #tpu.memory_space<hbm>>) target_semaphore(%run_scoped3A : memref<!tpu.dma_semaphore, #tpu.memory_space<semaphore_mem>>)
      %dma_wait3A_27 = arith.constant 0 : i32
      %dma_wait3A_28 = tpu.memref_slice %arg4[%add3A, %dma_wait3A_27] : memref<32x10000xf32, #tpu.memory_space<hbm>> -> memref<1x10000xf32, #tpu.memory_space<hbm>>
      %dma_wait3A_29 = tpu.memref_squeeze %dma_wait3A_28 : memref<1x10000xf32, #tpu.memory_space<hbm>> -> memref<10000xf32, #tpu.memory_space<hbm>>
      %dma_wait3A_30 = arith.constant 0 : i32
      %dma_wait3A_31 = tpu.memref_slice %arg4[%add3A, %dma_wait3A_30] : memref<32x10000xf32, #tpu.memory_space<hbm>> -> memref<1x10000xf32, #tpu.memory_space<hbm>>
      %dma_wait3A_32 = tpu.memref_squeeze %dma_wait3A_31 : memref<1x10000xf32, #tpu.memory_space<hbm>> -> memref<10000xf32, #tpu.memory_space<hbm>>
      tpu.wait_dma2 semaphore(%run_scoped3A : memref<!tpu.dma_semaphore, #tpu.memory_space<semaphore_mem>>) src(%arg8 : memref<10000xf32, #tpu.memory_space<vmem>>) dst(%dma_wait3A_32 : memref<10000xf32, #tpu.memory_space<hbm>>)
      tpu.yield
    }) : () -> ()
    return
  }
}

module attributes {stable_mosaic.version = 14 : i64} {
  func.func @_tc1_body(%arg0: memref<10000x128xf32, #tpu.memory_space<vmem>>, %arg1: memref<2x128xf32, #tpu.memory_space<vmem>>, %arg2: memref<1x1xf32, #tpu.memory_space<vmem>>, %arg3: memref<10000xf32, #tpu.memory_space<vmem>>, %arg4: memref<10000xf32, #tpu.memory_space<vmem>>) attributes {dimension_semantics = [], scalar_prefetch = 0 : i64, scratch_operands = 0 : i64, tpu.core_type = #tpu.core_type<tc>} {
    %get3A = arith.constant 0 : index
    %get3A_0 = arith.constant 0 : index
    %get3A_1 = vector.load %arg1[%get3A, %get3A_0] : memref<2x128xf32, #tpu.memory_space<vmem>>, vector<2x128xf32>
    %get3A_2 = arith.constant 0 : index
    %get3A_3 = arith.constant 0 : index
    %get3A_4 = vector.load %arg0[%get3A_2, %get3A_3] : memref<10000x128xf32, #tpu.memory_space<vmem>>, vector<10000x128xf32>
    %dot_general3A = arith.constant dense<0.000000e+00> : vector<2x10000xf32>
    %dot_general3A_5 = tpu.matmul %get3A_1, %get3A_4, %dot_general3A {dimension_numbers = #tpu.dot_dimension_numbers<[1], [1], [0], [0], [0, 0, 1, 0], [], []>, precision = #tpu.contract_precision<fp32>, transpose_lhs_hint = false} : vector<2x128xf32>, vector<10000x128xf32>, vector<2x10000xf32> -> vector<2x10000xf32>
    %slice3A = vector.extract_strided_slice %dot_general3A_5 {offsets = [0, 0], sizes = [1, 10000], strides = [1, 1]} : vector<2x10000xf32> to vector<1x10000xf32>
    %squeeze3A = vector.shape_cast %slice3A : vector<1x10000xf32> to vector<10000xf32>
    %swap3A = arith.constant 0 : index
    %swap3A_6 = vector.load %arg3[%swap3A] : memref<10000xf32, #tpu.memory_space<vmem>>, vector<10000xf32>
    tpu.vector_store %arg3[%swap3A], %squeeze3A {strides = array<i32>} : memref<10000xf32, #tpu.memory_space<vmem>>, vector<10000xf32>,
    %slice3A_7 = vector.extract_strided_slice %dot_general3A_5 {offsets = [1, 0], sizes = [1, 10000], strides = [1, 1]} : vector<2x10000xf32> to vector<1x10000xf32>
    %squeeze3A_8 = vector.shape_cast %slice3A_7 : vector<1x10000xf32> to vector<10000xf32>
    %get3A_9 = arith.constant 0 : index
    %get3A_10 = arith.constant 0 : index
    %get3A_11 = vector.load %arg2[%get3A_9, %get3A_10] : memref<1x1xf32, #tpu.memory_space<vmem>>, vector<1x1xf32>
    %get3A_12 = vector.extract %get3A_11[0, 0] : f32 from vector<1x1xf32>
    %add3A = vector.broadcast %get3A_12 : f32 to vector<10000xf32>
    %add3A_13 = arith.addf %squeeze3A_8, %add3A : vector<10000xf32>
    %swap3A_14 = arith.constant 0 : index
    %swap3A_15 = vector.load %arg4[%swap3A_14] : memref<10000xf32, #tpu.memory_space<vmem>>, vector<10000xf32>
    tpu.vector_store %arg4[%swap3A_14], %add3A_13 {strides = array<i32>} : memref<10000xf32, #tpu.memory_space<vmem>>, vector<10000xf32>,
    return
  }
}

module attributes {stable_mosaic.version = 14 : i64} {
  func.func @_tc2_body(%arg0: memref<10000x128xf32, #tpu.memory_space<vmem>>, %arg1: memref<32x10000xf32, #tpu.memory_space<vmem>>, %arg2: memref<10000xf32, #tpu.memory_space<vmem>>, %arg3: memref<10000xi32, #tpu.memory_space<vmem>>, %arg4: memref<64x128xf32, #tpu.memory_space<vmem>>) attributes {dimension_semantics = [], scalar_prefetch = 0 : i64, scratch_operands = 0 : i64, tpu.core_type = #tpu.core_type<tc>} {
    %get3A = arith.constant 0 : index
    %get3A_0 = arith.constant 0 : index
    %get3A_1 = vector.load %arg1[%get3A, %get3A_0] : memref<32x10000xf32, #tpu.memory_space<vmem>>, vector<32x10000xf32>
    %reduce_sum3A = arith.constant dense<0.000000e+00> : vector<10000xf32>
    %reduce_sum3A_2 = vector.multi_reduction <add>, %get3A_1, %reduce_sum3A [0] : vector<32x10000xf32> to vector<10000xf32>
    %get3A_3 = arith.constant 0 : index
    %get3A_4 = vector.load %arg2[%get3A_3] : memref<10000xf32, #tpu.memory_space<vmem>>, vector<10000xf32>
    %add3A = arith.addf %reduce_sum3A_2, %get3A_4 : vector<10000xf32>
    %get3A_5 = arith.constant 0 : index
    %get3A_6 = vector.load %arg3[%get3A_5] : memref<10000xi32, #tpu.memory_space<vmem>>, vector<10000xi32>
    %iota3A = tpu.iota {dimensions = array<i32: 0>} : vector<64x10000xi32>
    %broadcast_in_dim3A = vector.shape_cast %get3A_6 : vector<10000xi32> to vector<1x10000xi32>
    %eq3A = vector.broadcast %broadcast_in_dim3A : vector<1x10000xi32> to vector<64x10000xi32>
    %eq3A_7 = arith.cmpi eq, %iota3A, %eq3A : vector<64x10000xi32>
    %broadcast_in_dim3A_8 = vector.shape_cast %add3A : vector<10000xf32> to vector<1x10000xf32>
    %jit3A = arith.constant 0xFF800000 : f32
    %broadcast_in_dim3A_9 = vector.shape_cast %broadcast_in_dim3A_8 : vector<1x10000xf32> to vector<1x10000xf32>
    %broadcast_in_dim3A_10 = vector.broadcast %broadcast_in_dim3A_9 : vector<1x10000xf32> to vector<64x10000xf32>
    %broadcast_in_dim3A_11 = vector.broadcast %jit3A : f32 to vector<64x10000xf32>
    %select_n3A = arith.select %eq3A_7, %broadcast_in_dim3A_10, %broadcast_in_dim3A_11 : vector<64x10000xi1>, vector<64x10000xf32>
    %reduce_max3A = arith.constant dense<0xFF800000> : vector<64xf32>
    %reduce_max3A_12 = vector.multi_reduction <maximumf>, %select_n3A, %reduce_max3A [1] : vector<64x10000xf32> to vector<64xf32>
    %is_finite3A = tpu.weird %reduce_max3A_12 : vector<64xf32> -> vector<64xi1>
    %is_finite3A_13 = arith.constant dense<true> : vector<64xi1>
    %is_finite3A_14 = arith.xori %is_finite3A, %is_finite3A_13 : vector<64xi1>
    %jit3A_15 = arith.constant 0.000000e+00 : f32
    %broadcast_in_dim3A_16 = vector.broadcast %jit3A_15 : f32 to vector<64xf32>
    %select_n3A_17 = arith.select %is_finite3A_14, %reduce_max3A_12, %broadcast_in_dim3A_16 : vector<64xi1>, vector<64xf32>
    %broadcast_in_dim3A_18 = vector.shape_cast %add3A : vector<10000xf32> to vector<1x10000xf32>
    %broadcast_in_dim3A_19 = vector.shape_cast %select_n3A_17 : vector<64xf32> to vector<64x1xf32>
    %sub3A = vector.broadcast %broadcast_in_dim3A_18 : vector<1x10000xf32> to vector<64x10000xf32>
    %sub3A_20 = vector.broadcast %broadcast_in_dim3A_19 : vector<64x1xf32> to vector<64x10000xf32>
    %sub3A_21 = arith.subf %sub3A, %sub3A_20 : vector<64x10000xf32>
    %jit3A_22 = arith.constant 0xFF800000 : f32
    %broadcast_in_dim3A_23 = vector.broadcast %jit3A_22 : f32 to vector<64x10000xf32>
    %select_n3A_24 = arith.select %eq3A_7, %sub3A_21, %broadcast_in_dim3A_23 : vector<64x10000xi1>, vector<64x10000xf32>
    %exp3A = math.exp %select_n3A_24 : vector<64x10000xf32>
    %reduce_sum3A_25 = arith.constant dense<0.000000e+00> : vector<64xf32>
    %reduce_sum3A_26 = vector.multi_reduction <add>, %exp3A, %reduce_sum3A_25 [1] : vector<64x10000xf32> to vector<64xf32>
    %broadcast_in_dim3A_27 = vector.shape_cast %reduce_sum3A_26 : vector<64xf32> to vector<64x1xf32>
    %add3A_28 = arith.constant 1.000000e-16 : f32
    %add3A_29 = vector.broadcast %add3A_28 : f32 to vector<64x1xf32>
    %add3A_30 = arith.addf %broadcast_in_dim3A_27, %add3A_29 : vector<64x1xf32>
    %div3A = vector.broadcast %add3A_30 : vector<64x1xf32> to vector<64x10000xf32>
    %div3A_31 = arith.divf %exp3A, %div3A : vector<64x10000xf32>
    %get3A_32 = arith.constant 0 : index
    %get3A_33 = arith.constant 0 : index
    %get3A_34 = vector.load %arg0[%get3A_32, %get3A_33] : memref<10000x128xf32, #tpu.memory_space<vmem>>, vector<10000x128xf32>
    %dot_general3A = arith.constant dense<0.000000e+00> : vector<64x128xf32>
    %dot_general3A_35 = tpu.matmul %div3A_31, %get3A_34, %dot_general3A {dimension_numbers = #tpu.dot_dimension_numbers<[1], [0], [0], [1], [0, 0, 1, 1], [], []>, transpose_lhs_hint = false} : vector<64x10000xf32>, vector<10000x128xf32>, vector<64x128xf32> -> vector<64x128xf32>
    %swap3A = arith.constant 0 : index
    %swap3A_36 = arith.constant 0 : index
    %swap3A_37 = vector.load %arg4[%swap3A, %swap3A_36] : memref<64x128xf32, #tpu.memory_space<vmem>>, vector<64x128xf32>
    tpu.vector_store %arg4[%swap3A, %swap3A_36], %dot_general3A_35 {strides = array<i32>} : memref<64x128xf32, #tpu.memory_space<vmem>>, vector<64x128xf32>,
    return
  }
}

</mosaic_0001>

<sc_bundles>
// kernel: kernel.5.cloned.1.call-start
scs
__scs_entry_jumppad:
0x0: {  	(pc) =	sbr.rel $0x88, $3  }
0x1: {  	(tag) =	ssettag $0x0;
	lr =	simm.s32 $0x1  }
0x2: {  	[smem:$0x3F9B] =	sst lr;
	_ =	strace $0xD0000000  }
0x3: {  	_ = 	snop  }
0x4: {  	_ = 	snop  }
0x5: {  	_ = 	snop  }
0x6: {  	_ = 	snop  }
0x7: {  	_ = 	snop  }
__scs_overlays_trampoline_lowered:
0x8: {  	[smem:$0x3FAA] =	sst s0  }
0x9: {  	[smem:$0x3FAB] =	sst s1  }
0xa: {  	[smem:$0x3FAC] =	sst s2  }
0xb: {  	[smem:$0x3FAD] =	sst s3  }
0xc: {  	[smem:$0x3FAE] =	sst s4  }
0xd: {  	[smem:$0x3FAF] =	sst s5  }
0xe: {  	[smem:$0x3FB0] =	sst s6  }
0xf: {  	[smem:$0x3FB1] =	sst s7  }
0x10: {  	[smem:$0x3FB2] =	sst s8  }
0x11: {  	[smem:$0x3FB3] =	sst s9;
	s0 =	simm.s32 @!p0 $0x0  }
0x12: {  	s1 =	sld [smem:$0x3F99];
	s0 =	simm.s32 @p0 $0x1  }
0x13: {  	[smem:$0x3FB4] =	sst s0;
	s0 =	simm.s32 @!p1 $0x0  }
0x14: {  	s2 =	sld [smem:$0x3F98];
	s0 =	simm.s32 @p1 $0x1  }
0x15: {  	[smem:$0x3FB5] =	sst s0;
	s0 =	simm.s32 @!p2 $0x0  }
0x16: {  	s3 =	sld [smem:$0x3FDB];
	s0 =	simm.s32 @p2 $0x1  }
0x17: {  	s4 =	simm.s32 $0x1BF5;
	[smem:$0x3FB7] =	sst s0  }
0x18: {  	s0 =	sld [smem:$0x3F9A];
	_ =	swait.ge [sflag:s4], $0x0  }
0x19: {  	s7 =	sld [smem:$0x3F9B]  }
0x1a: {  	s8 =	sadd.s32 $0xFFFFE003, lr  }
0x1b: {  	s9 =	sadd.s32 $0xFFFFFEF7, lr;
	s5 =	simm.s32 $0xFFFFFFFF;
	p2 =	slt.u32 s8, $0xFFFFF086  }
0x1c: {  	p1 =	slt.u32 s9, $0xF7A;
	s5 =	simm.s32 @!p2 $0x0  }
0x1d: {  	s5 =	simm.s32 @p1 $0x1;
	p0 =	seq.s32 s7, s2  }
0x1e: {  	s7 =	smul.u32 @!p0 $0xF7A, s2;
	p2 =	seq.s32 @!p0 s5, $0x0  }
0x1f: {  	s9 =	smul.u32 $0xF7A, s1;
	s8 =	simm.s32 @!p0 $0x1BF5;
	p2 =	por !p2, p0  }
0x20: {  	[sflag:s8] =	ssyncset.s32 @!p0 $0xFFFFF086;
	s6 =	sadd.s32 @!p0 s3, s7;
	s7 =	simm.s32 @!p0 $0x108  }
0x21: {  	s3 =	sadd.s32 s3, s9;
	s6 =	sadd.s32 @!p0 $0x88, s6;
	s7 =	simm.s32 @p2 $0x1082  }
0x22: {  	[simem:s7], [sflag:s8] =	dma.local @!p0 [hbm:s6], $0xF7A  }
0x23: {  	s9 =	sor.u32 $0xD0000000, s2;
	s6 =	simm.s32 $0x108;
	_ =	swait.ge @!p0 [sflag:s8], $0x0  }
0x24: {  	s3 =	sadd.s32 $0x88, s3;
	s6 =	simm.s32 @!p1 $0x1082;
	[sflag:s4] =	ssyncset.s32 $0xFFFFF086  }
0x25: {  	[simem:s6], [sflag:s4] =	dma.local [hbm:s3], $0xF7A  }
0x26: {  	[smem:$0x3F9B] =	sst s1;
	(tag) =	ssettag s2;
	_ =	strace s9  }
0x27: {  	s1 =	sld [smem:$0x3FAB]  }
0x28: {  	s2 =	sld [smem:$0x3FAC]  }
0x29: {  	s4 =	sld [smem:$0x3FAE]  }
0x2a: {  	p0 =	seq.s32 s5, $0x0;
	s5 =	sld [smem:$0x3FAF]  }
0x2b: {  	s6 =	sld [smem:$0x3FB0]  }
0x2c: {  	s7 =	sld [smem:$0x3FB1]  }
0x2d: {  	s3 =	simm.s32 $0x108;
	s8 =	sld [smem:$0x3FB2]  }
0x2e: {  	s3 =	simm.s32 @!p0 $0x1082;
	s9 =	sld [smem:$0x3FB3]  }
0x2f: {  	lr =	sadd.s32 s0, s3;
	s0 =	sld [smem:$0x3FAA]  }
0x30: {  	s3 =	sld [smem:$0x3FAD]  }
0x31: {  	[smem:$0x3FB6] =	sst s10  }
0x32: {  	s10 =	sld [smem:$0x3FB4];
	_ =	sdelay $0x3  }
0x33: {  	p0 =	seq.s32 s10, $0x1;
	s10 =	sld [smem:$0x3FB6];
	_ =	sdelay $0x3  }
0x34: {  	[smem:$0x3FB6] =	sst s10  }
0x35: {  	s10 =	sld [smem:$0x3FB5];
	_ =	sdelay $0x3  }
0x36: {  	p1 =	seq.s32 s10, $0x1;
	s10 =	sld [smem:$0x3FB6];
	_ =	sdelay $0x3  }
0x37: {  	[smem:$0x3FB6] =	sst s10  }
0x38: {  	s10 =	sld [smem:$0x3FB7]  }
0x39: {  	_ = 	snop;
	(pc) =	sbr.ind lr, $3  }
0x3a: {  	_ = 	snop  }
0x3b: {  	_ = 	snop  }
0x3c: {  	p2 =	seq.s32 s10, $0x1;
	s10 =	sld [smem:$0x3FB6]  }
0x3d: {  	_ =	shalt  }
0x3e: {  	_ =	shalt  }
0x3f: {  	_ =	shalt  }
0x40: {  	_ =	shalt  }
0x41: {  	_ =	shalt  }
0x42: {  	_ =	shalt  }
0x43: {  	_ =	shalt  }
0x44: {  	_ =	shalt  }
0x45: {  	_ =	shalt  }
0x46: {  	_ =	shalt  }
0x47: {  	_ =	shalt  }
0x48: {  	_ =	shalt  }
0x49: {  	_ =	shalt  }
0x4a: {  	_ =	shalt  }
0x4b: {  	_ =	shalt  }
0x4c: {  	_ =	shalt  }
0x4d: {  	_ =	shalt  }
0x4e: {  	_ =	shalt  }
0x4f: {  	_ =	shalt  }
0x50: {  	_ =	shalt  }
0x51: {  	_ =	shalt  }
0x52: {  	_ =	shalt  }
0x53: {  	_ =	shalt  }
0x54: {  	_ =	shalt  }
0x55: {  	_ =	shalt  }
0x56: {  	_ =	shalt  }
0x57: {  	_ =	shalt  }
0x58: {  	_ =	shalt  }
0x59: {  	_ =	shalt  }
0x5a: {  	_ =	shalt  }
0x5b: {  	_ =	shalt  }
0x5c: {  	_ =	shalt  }
0x5d: {  	_ =	shalt  }
0x5e: {  	_ =	shalt  }
0x5f: {  	_ =	shalt  }
0x60: {  	_ =	shalt  }
0x61: {  	_ =	shalt  }
0x62: {  	_ =	shalt  }
0x63: {  	_ =	shalt  }
0x64: {  	_ =	shalt  }
0x65: {  	_ =	shalt  }
0x66: {  	_ =	shalt  }
0x67: {  	_ =	shalt  }
0x68: {  	_ =	shalt  }
0x69: {  	_ =	shalt  }
0x6a: {  	_ =	shalt  }
0x6b: {  	_ =	shalt  }
0x6c: {  	_ =	shalt  }
0x6d: {  	_ =	shalt  }
0x6e: {  	_ =	shalt  }
0x6f: {  	_ =	shalt  }
0x70: {  	_ =	shalt  }
0x71: {  	_ =	shalt  }
0x72: {  	_ =	shalt  }
0x73: {  	_ =	shalt  }
0x74: {  	_ =	shalt  }
0x75: {  	_ =	shalt  }
0x76: {  	_ =	shalt  }
0x77: {  	_ =	shalt  }
0x78: {  	_ =	shalt  }
0x79: {  	_ =	shalt  }
0x7a: {  	_ =	shalt  }
0x7b: {  	_ =	shalt  }
0x7c: {  	_ =	shalt  }
0x7d: {  	_ =	shalt  }
0x7e: {  	_ =	shalt  }
0x7f: {  	_ =	shalt  }
0x80: {  	_ =	shalt  }
0x81: {  	_ =	shalt  }
0x82: {  	_ =	shalt  }
0x83: {  	_ =	shalt  }
0x84: {  	_ =	shalt  }
0x85: {  	_ =	shalt  }
0x86: {  	_ =	shalt  }
0x87: {  	_ =	shalt  }
.Lfunc_end0:
.L_simem_size_0:
called_computation_lowered:
.L_overlay_start_0:
0x88: {  	s2 =	sld [smem:$0x3FD9]  }
0x89: {  	s3 =	sld [smem:$0x3FFE];
	_ =	sdelay $0x1  }
0x8a: {  	s1 =	srdreg.scid  }
0x8b: {  	s0 =	sand.u32 $0x1, s1  }
0x8c: {  	s17 =	sshll.u32 s0, $0xA;
	s2 =	sadd.s32 s3, s2  }
0x8d: {  	s2 =	sadd.s32 s2, s17  }
0x8e: {  	[smem:$0x3FC2] =	sst s2  }
0x8f: {  	_ = 	snop  }
0x90: {  	s2 =	sld [smem:$0x3FC5];
	(tm) =	ssettm $0x1  }
0x91: {  	s18 =	sld [smem:$0x3FFB];
	_ =	sdelay $0x3  }
0x92: {  	_ =	strace s18  }
0x93: {  	s3 =	sld [smem:$0x3FFC];
	_ =	sdelay $0x3  }
0x94: {  	_ =	strace s3  }
0x95: {  	s3 =	sld [smem:$0x3FFD];
	_ =	sdelay $0x3  }
0x96: {  	_ =	strace s3  }
0x97: {  	_ =	strace $0x8FFFFFFF  }
0x98: {  	s19 =	sld [smem:$0x3FDB];
	_ =	sdelay $0x1  }
0x99: {  	s4 =	simm.s32 $_scs_section_size  }
0x9a: {  	s5 =	simm.s32 $_size__tile_overlayer_lowered;
	s6 =	simm.s32 $_tile_overlayer_lowered  }
0x9b: {  	s22 =	simm.s32 $0x1BFF;
	s21 =	sshll.u32 s6, $0x1;
	s3 =	sadd.s32 s4, s19  }
0x9c: {  	s7 =	simm.s32 $0x0;
	s20 =	sshll.u32 s5, $0x1;
	s5 =	sadd.s32 s21, s3  }
0x9d: {  	[timem:s7], [sflag:s22] =	dma.local [hbm:s5], s20  }
0x9e: {  	_ =	swait.ge [sflag:s22], s20  }
0x9f: {  	s4 =	ssub.s32 $0x0, s20;
	[sflag:s22] =	ssyncset.done $0x0  }
0xa0: {  	[sflag:s22] =	ssyncadd.s32 s4;
	_ =	sdelay $0x1  }
0xa1: {  	s23 =	simm.s32 $0x1B8B  }
0xa2: {  	_ =	swait.ge [sflag:s23], $0x1  }
0xa3: {  	[sflag:s23] =	ssyncset.done $0x0  }
0xa4: {  	s25 =	simm.s32 $0x1B8E;
	s24 =	sld [smem:$0x3FFE];
	[sflag:s23] =	ssyncadd.s32 $0xFFFFFFFF  }
0xa5: {  	s26 =	simm.s32 $execute0_lowered;
	[smem:$0x3FD2] =	sst s25  }
0xa6: {  	s5 =	sshll.u32 s26, $0x1;
	_ =	strace $0x80000046;
	[dreg:$0x1] =	wrdreg $0xFFFFFFFF  }
0xa7: {  	s28 =	simm.s32 $_size_execute0_lowered;
	s3 =	sadd.s32 s3, s5;
	[dreg:$0x0] =	wrdreg $0x0  }
0xa8: {  	s5 =	sshll.u32 s28, $0x1;
	[dreg:$0x2] =	wrdreg s3  }
0xa9: {  	[dreg:$0x3] =	wrdreg s5  }
0xaa: {  	[dreg:$0x4] =	wrdreg $0xC0  }
0xab: {  	_ =	task [dreg:s7], $0x5FFFF  }
0xac: {  	[dreg:$0x1] =	wrdreg $0xFFFFFFFF  }
0xad: {  	[dreg:$0x0] =	wrdreg $0x60  }
0xae: {  	[dreg:$0x2] =	wrdreg s2  }
0xaf: {  	[dreg:$0x3] =	wrdreg s24  }
0xb0: {  	[dreg:$0x4] =	wrdreg $0x9  }
0xb1: {  	_ =	task.clear_ibuf [dreg:s7], $0x5FFFF;
	_ =	strace $0x90000046  }
0xb2: {  	s29 =	simm.s32 $0x9;
	_ =	strace $0x80000048  }
0xb3: {  	_ =	swait.ge [sflag:s29], $0x1  }
0xb4: {  	[sflag:s29] =	ssyncadd.s32 $0xFFFFFFFF  }
0xb5: {  	_ =	strace $0x90000048  }
0xb6: {  	_ =	sfence  }
0xb7: {  	s30 =	sld [smem:$0x0];
	_ =	sdelay $0x2  }
0xb8: {  	s31 =	sshll.u32 s1, $0xD;
	s1 =	sshrl.u32 s1, $0x2  }
0xb9: {  	s3 =	sand.u32 $0x4000, s31;
	s1 =	sadd.s32 s1, s30  }
0xba: {  	s0 =	sor.u32 s3, s0;
	s1 =	sshll.u32 s1, $0x11  }
0xbb: {  	s0 =	sor.u32 s1, s0  }
0xbc: {  	s0 =	sadd.s32 $0x8F2B, s0  }
0xbd: {  	[sflag:s0] =	ssyncadd.remote.s32 $0x1  }
0xbe: {  	_ =	sfence.sel $0xFFFF  }
0xbf: {  	[dreg:$0x0] =	wrdreg $0xFFFFFFFF;
	(pc) =	sbr.abs _section_cstart, $3  }
0xc0: {  	[dreg:$0x1] =	wrdreg $0xFFFFFFFF  }
0xc1: {  	_ =	task.clear_ibuf [dreg:s7], $0x2FFFF;
	_ =	strace $0x9FFFFFFF  }
0xc2: {  	(tm) =	ssettm $0x7FFFFFFF  }
0xc3: {  	_ =	shalt  }
tec
execute0_lowered:
.L_overlay_start_1:
0x0: {  	(tag) =	ssettag $0x1  }
0x1: {  	s5 =	rddreg [dreg:$0x0];
	s1 =	srdreg.scid  }
0x2: {  	s0 =	stileid.u32;
	s4 =	rddreg [dreg:$0x1];
	s11 =	simm.s32 $0x7680  }
0x3: {  	s12 =	simm.s32 $0x80;
	s13 =	simm.s32 $0x400;
	s14 =	simm.s32 $0x4  }
0x4: {  	s15 =	simm.s32 $0x0;
	s6 =	sand.u32 $0x1, s1;
	s2 =	sshll.u32 s0, $0x1  }
0x5: {  	s1 =	rddreg [dreg:$0x2];
	s3 =	sshrl.u32 s0, $0x2;
	p0 =	sgt.u32 s0, $0x1  }
0x6: {  	s7 =	sor.u32 s6, s2;
	s2 =	simm.s32 $0x0;
	s8 =	smul.u32 $0x13C00, s3  }
0x7: {  	s3 =	sadd.s32 $0x1600, s4;
	s6 =	ssub.s32 $0x2, s6;
	s29 =	sshll.u32 s7, $0x7  }
0x8: {  	[smem:$0x7FF] =	sst s2;
	s30 =	smul.u32 $0x9C0, s7;
	s9 =	sand.u32 $0x380, s29  }
0x9: {  	s31 =	sshrl.u32 s6, $0x1;
	s7 =	sshll.u32 s7, $0x5;
	s8 =	sor.u32 s8, s9  }
0xa: {  	_ =	strace $0x80000047;
	s10 =	ssub.s32 s6, s31;
	s8 =	sshrl.u32 s8, $0x3  }
0xb: {  	s9 =	simm.s32 $0x3;
	s8 =	sadd.s32 s8, s4;
	s4 =	sadd.s32 s5, s30  }
0xc: {  	s5 =	sadd.s32 s7, s5;
	s7 =	smax.u32 s10, $0x1;
	s10 =	simm.s32 $0x1  }
0xd: {  	v0 =	vimm.f32 $0.0e+00;
	s5 =	sadd.s32 $0x13800, s5;
	s6 =	sadd.s32 $0x1C00, s8;
	s8 =	simm.s32 $0x4F00  }
.LBB2_1:
0xe: {  	[tilespmem:s2], [sflag:$0x1] =	stream.linear.gather [hbm4b:s4+s2], $0x4E00, $0x38;
	[tilespmem:$0x9E00] =	vst v63  }
0xf: {  	_ = 	snop  }
0x10: {  	[tilespmem:s8], [sflag:$0x3] =	stream.linear.gather [hbm4b:s3+s2], $0x2780, $0x38;
	[tilespmem:$0x9E00] =	vst v63  }
0x11: {  	s16 =	simm.s32 @!p0 $0x0;
	s17 =	simm.s32 @!p0 $0x4E00  }
0x12: {  	[tilespmem:s17], [sflag:$0x2] =	stream.linear.gather @!p0 [hbm4b:s5+s16], $0x100, $0x38;
	[tilespmem:$0x9E00] =	vst v63  }
0x13: {  	s16 =	simm.s32 $0x76C0  }
0x14: {  	[tilespmem:s16+$0xFFFFFFC0] =	vst v0  }
0x15: {  	[tilespmem:s16+$0x30] =	vst v0  }
0x16: {  	[tilespmem:s16+$0x20] =	vst v0  }
0x17: {  	[tilespmem:s16+$0x10] =	vst v0  }
0x18: {  	[tilespmem:s16+$0x0] =	vst v0  }
0x19: {  	[tilespmem:s16+$0xFFFFFFF0] =	vst v0  }
0x1a: {  	s17 =	simm.s32 $0x0;
	[tilespmem:s16+$0xFFFFFFE0] =	vst v0  }
.LBB2_2:
0x1b: {  	s17 =	sadd.s32 $0x8, s17;
	[tilespmem:s16+$0xFFFFFFD0] =	vst v0;
	s16 =	sadd.s32 $0x80, s16  }
0x1c: {  	[tilespmem:s16+$0xFFFFFFC0] =	vst v0;
	p1 =	slt.u32 s17, $0x268  }
0x1d: {  	[tilespmem:s16+$0x30] =	vst v0  }
.Ltmp0:
0x1e: {  	[tilespmem:s16+$0x20] =	vst v0;
	(pc) =	sbr.rel @p1 .LBB2_2-.Ltmp0, $4  }
0x1f: {  	[tilespmem:s16+$0x10] =	vst v0  }
0x20: {  	[tilespmem:s16+$0x0] =	vst v0  }
0x21: {  	[tilespmem:s16+$0xFFFFFFF0] =	vst v0  }
0x22: {  	[tilespmem:s16+$0xFFFFFFE0] =	vst v0  }
0x23: {  	[tilespmem:s16+$0xFFFFFFD0] =	vst v0  }
0x24: {  	[tilespmem:$0x9D80] =	vst v0  }
0x25: {  	_ =	swait.ge [sflag:s9], $0x2780  }
0x26: {  	[sflag:s9] =	ssyncset.done $0x0  }
0x27: {  	[sflag:s9] =	ssyncadd.s32 $0xFFFFD880  }
0x28: {  	_ =	swait.ge [sflag:s10], $0x4E00  }
0x29: {  	[sflag:s10] =	ssyncset.done $0x0  }
0x2a: {  	s31 =	simm.s32 $0x80;
	[sflag:s10] =	ssyncadd.s32 $0xFFFFB200  }
0x2b: {  	v1 =	vld [tilespmem:s31+$0xFFFFFFF0]  }
0x2c: {  	v2 =	vld [tilespmem:s31+$0xFFFFFF90]  }
0x2d: {  	v3 =	vld [tilespmem:s31+$0xFFFFFFA0]  }
0x2e: {  	v4 =	vld [tilespmem:s31+$0xFFFFFFB0]  }
0x2f: {  	v5 =	vld [tilespmem:s31+$0xFFFFFFC0]  }
0x30: {  	v6 =	vld [tilespmem:s31+$0xFFFFFFD0]  }
0x31: {  	v7 =	vld [tilespmem:s31+$0x70]  }
0x32: {  	v8 =	vld [tilespmem:s31+$0xFFFFFFE0]  }
0x33: {  	v9 =	vld [tilespmem:s31+$0xFFFFFF80]  }
0x34: {  	v63 =	vld [tilespmem:s31+$0x0]  }
0x35: {  	v11 =	vld [tilespmem:s31+$0x10]  }
0x36: {  	v12 =	vld [tilespmem:s31+$0x20]  }
0x37: {  	v13 =	vld [tilespmem:s31+$0x30]  }
0x38: {  	v14 =	vld [tilespmem:s31+$0x40]  }
0x39: {  	v15 =	vld [tilespmem:s31+$0x50]  }
0x3a: {  	v1 =	vld.idx.msk [tilespmem:v1+s8+$0x0], $0xffff  }
0x3b: {  	v10 =	vld.idx.msk [tilespmem:v2+s8+$0x0], $0xffff  }
0x3c: {  	v3 =	vld.idx.msk [tilespmem:v3+s8+$0x0], $0xffff  }
0x3d: {  	v4 =	vld.idx.msk [tilespmem:v4+s8+$0x0], $0xffff  }
0x3e: {  	v5 =	vld.idx.msk [tilespmem:v5+s8+$0x0], $0xffff  }
0x3f: {  	v62 =	vld.idx.msk [tilespmem:v9+s8+$0x0], $0xffff  }
0x40: {  	v6 =	vld.idx.msk [tilespmem:v6+s8+$0x0], $0xffff  }
0x41: {  	v2 =	vld [tilespmem:s31+$0x60]  }
0x42: {  	[tilespmem:v7+s11+$0x0] =	vst.idx.add.f32.msk $0xffff, v1  }
0x43: {  	v1 =	vld.idx.msk [tilespmem:v8+s8+$0x0], $0xffff  }
0x44: {  	[tilespmem:v63+s11+$0x0] =	vst.idx.add.f32.msk $0xffff, v62  }
0x45: {  	[tilespmem:v11+s11+$0x0] =	vst.idx.add.f32.msk $0xffff, v10  }
0x46: {  	[tilespmem:v12+s11+$0x0] =	vst.idx.add.f32.msk $0xffff, v3  }
0x47: {  	[tilespmem:v13+s11+$0x0] =	vst.idx.add.f32.msk $0xffff, v4  }
0x48: {  	[tilespmem:v14+s11+$0x0] =	vst.idx.add.f32.msk $0xffff, v5  }
0x49: {  	s16 =	simm.s32 $0x0;
	s17 =	simm.s32 $0x180;
	[tilespmem:v15+s11+$0x0] =	vst.idx.add.f32.msk $0xffff, v6  }
.LBB2_4:
0x4a: {  	v3 =	vld [tilespmem:s17+$0xFFFFFFF0];
	s16 =	sadd.s32 $0x8, s16  }
0x4b: {  	v4 =	vld [tilespmem:s17+$0xFFFFFF90];
	p1 =	slt.u32 s16, $0x268  }
0x4c: {  	v5 =	vld [tilespmem:s17+$0xFFFFFFA0]  }
0x4d: {  	v6 =	vld [tilespmem:s17+$0xFFFFFFB0]  }
0x4e: {  	v7 =	vld [tilespmem:s17+$0xFFFFFFC0]  }
0x4f: {  	v8 =	vld [tilespmem:s17+$0xFFFFFFD0]  }
0x50: {  	v9 =	vld [tilespmem:s17+$0x70]  }
0x51: {  	v10 =	vld [tilespmem:s17+$0xFFFFFFE0]  }
0x52: {  	v3 =	vld.idx.msk [tilespmem:v3+s8+$0x0], $0xffff  }
0x53: {  	v11 =	vld [tilespmem:s17+$0xFFFFFF80]  }
0x54: {  	v4 =	vld.idx.msk [tilespmem:v4+s8+$0x0], $0xffff  }
0x55: {  	v5 =	vld.idx.msk [tilespmem:v5+s8+$0x0], $0xffff  }
0x56: {  	v6 =	vld.idx.msk [tilespmem:v6+s8+$0x0], $0xffff  }
0x57: {  	v7 =	vld.idx.msk [tilespmem:v7+s8+$0x0], $0xffff  }
0x58: {  	[tilespmem:v9+s11+$0x0] =	vst.idx.add.f32.msk $0xffff, v3  }
0x59: {  	v3 =	vld.idx.msk [tilespmem:v8+s8+$0x0], $0xffff  }
0x5a: {  	v8 =	vld.idx.msk [tilespmem:v10+s8+$0x0], $0xffff  }
0x5b: {  	v9 =	vld.idx.msk [tilespmem:v11+s8+$0x0], $0xffff  }
0x5c: {  	v10 =	vld [tilespmem:s17+$0x0]  }
0x5d: {  	v11 =	vld [tilespmem:s17+$0x10]  }
0x5e: {  	v12 =	vld [tilespmem:s17+$0x20]  }
0x5f: {  	v13 =	vld [tilespmem:s17+$0x30]  }
0x60: {  	v14 =	vld [tilespmem:s17+$0x40]  }
0x61: {  	v15 =	vld [tilespmem:s17+$0x50]  }
0x62: {  	v16 =	vld [tilespmem:s17+$0x60]  }
0x63: {  	[tilespmem:v2+s11+$0x0] =	vst.idx.add.f32.msk $0xffff, v1;
	v1 =	vmov v8  }
0x64: {  	[tilespmem:v10+s11+$0x0] =	vst.idx.add.f32.msk $0xffff, v9  }
.Ltmp1:
0x65: {  	[tilespmem:v11+s11+$0x0] =	vst.idx.add.f32.msk $0xffff, v4;
	(pc) =	sbr.rel @p1 .LBB2_4-.Ltmp1, $4  }
0x66: {  	[tilespmem:v12+s11+$0x0] =	vst.idx.add.f32.msk $0xffff, v5  }
0x67: {  	[tilespmem:v13+s11+$0x0] =	vst.idx.add.f32.msk $0xffff, v6;
	v2 =	vmov v16  }
0x68: {  	[tilespmem:v14+s11+$0x0] =	vst.idx.add.f32.msk $0xffff, v7  }
0x69: {  	s17 =	sadd.s32 $0x100, s17;
	[tilespmem:v15+s11+$0x0] =	vst.idx.add.f32.msk $0xffff, v3  }
0x6a: {  	_ =	sdelay $0x3  }
0x6b: {  	[tilespmem:v2+s11+$0x0] =	vst.idx.add.f32.msk $0xffff, v1;
	s16 =	simm.s32 @!p0 $0x2  }
0x6c: {  	_ =	swait.ge @!p0 [sflag:s16], $0x100  }
0x6d: {  	[sflag:s16] =	ssyncset.done @!p0 $0x0  }
0x6e: {  	[sflag:s16] =	ssyncadd.s32 @!p0 $0xFFFFFF00  }
0x6f: {  	v1 =	vld @!p0 [tilespmem:$0x4E00];
	_ =	sdelay $0x4  }
0x70: {  	v2 =	vld @!p0 [tilespmem:$0x4E80];
	_ =	sdelay $0x1  }
0x71: {  	s16 =	simm.s32 @!p0 $0x4F00  }
0x72: {  	v1 =	vld.idx.msk @!p0 [tilespmem:v1+s16+$0x0], $0xffff;
	_ =	sdelay $0x3  }
0x73: {  	s17 =	simm.s32 @!p0 $0x7680  }
0x74: {  	[tilespmem:v2+s17+$0x0] =	vst.idx.add.f32.msk @!p0 $0xffff, v1  }
0x75: {  	v1 =	vld @!p0 [tilespmem:$0x4E10];
	_ =	sdelay $0x4  }
0x76: {  	v2 =	vld @!p0 [tilespmem:$0x4E90];
	_ =	sdelay $0x2  }
0x77: {  	v1 =	vld.idx.msk @!p0 [tilespmem:v1+s16+$0x0], $0xffff;
	_ =	sdelay $0x4  }
0x78: {  	[tilespmem:v2+s17+$0x0] =	vst.idx.add.f32.msk @!p0 $0xffff, v1  }
0x79: {  	v1 =	vld @!p0 [tilespmem:$0x4E20];
	_ =	sdelay $0x4  }
0x7a: {  	v2 =	vld @!p0 [tilespmem:$0x4EA0];
	_ =	sdelay $0x2  }
0x7b: {  	v1 =	vld.idx.msk @!p0 [tilespmem:v1+s16+$0x0], $0xffff;
	_ =	sdelay $0x4  }
0x7c: {  	[tilespmem:v2+s17+$0x0] =	vst.idx.add.f32.msk @!p0 $0xffff, v1  }
0x7d: {  	v1 =	vld @!p0 [tilespmem:$0x4E30];
	_ =	sdelay $0x4  }
0x7e: {  	v2 =	vld @!p0 [tilespmem:$0x4EB0];
	_ =	sdelay $0x2  }
0x7f: {  	v1 =	vld.idx.msk @!p0 [tilespmem:v1+s16+$0x0], $0xffff;
	_ =	sdelay $0x4  }
0x80: {  	[tilespmem:v2+s17+$0x0] =	vst.idx.add.f32.msk @!p0 $0xffff, v1  }
0x81: {  	v1 =	vld @!p0 [tilespmem:$0x4E40];
	_ =	sdelay $0x4  }
0x82: {  	v2 =	vld @!p0 [tilespmem:$0x4EC0];
	_ =	sdelay $0x2  }
0x83: {  	v1 =	vld.idx.msk @!p0 [tilespmem:v1+s16+$0x0], $0xffff;
	_ =	sdelay $0x4  }
0x84: {  	[tilespmem:v2+s17+$0x0] =	vst.idx.add.f32.msk @!p0 $0xffff, v1  }
0x85: {  	v1 =	vld @!p0 [tilespmem:$0x4E50];
	_ =	sdelay $0x4  }
0x86: {  	v2 =	vld @!p0 [tilespmem:$0x4ED0];
	_ =	sdelay $0x2  }
0x87: {  	v1 =	vld.idx.msk @!p0 [tilespmem:v1+s16+$0x0], $0xffff;
	_ =	sdelay $0x4  }
0x88: {  	[tilespmem:v2+s17+$0x0] =	vst.idx.add.f32.msk @!p0 $0xffff, v1  }
0x89: {  	v1 =	vld @!p0 [tilespmem:$0x4E60];
	_ =	sdelay $0x4  }
0x8a: {  	v2 =	vld @!p0 [tilespmem:$0x4EE0];
	_ =	sdelay $0x2  }
0x8b: {  	v1 =	vld.idx.msk @!p0 [tilespmem:v1+s16+$0x0], $0xffff;
	_ =	sdelay $0x4  }
0x8c: {  	[tilespmem:v2+s17+$0x0] =	vst.idx.add.f32.msk @!p0 $0xffff, v1  }
0x8d: {  	v1 =	vld @!p0 [tilespmem:$0x4E70];
	_ =	sdelay $0x4  }
0x8e: {  	v2 =	vld @!p0 [tilespmem:$0x4EF0];
	_ =	sdelay $0x2  }
0x8f: {  	v1 =	vld.idx.msk @!p0 [tilespmem:v1+s16+$0x0], $0xffff;
	_ =	sdelay $0x2  }
0x90: {  	s15 =	sadd.s32 $0x1, s15  }
0x91: {  	p1 =	sne.s32 s15, s7  }
.Ltmp2:
0x92: {  	[tilespmem:v2+s17+$0x0] =	vst.idx.add.f32.msk @!p0 $0xffff, v1;
	(pc) =	sbr.rel @p1 .LBB2_1-.Ltmp2, $4  }
0x93: {  	[hbm4b:s6+s12] =	stream.strided.scatter [tilespmem:s11], [sflag:$0x4], $0x2780, s13, s12, $0x38;
	[tilespmem:$0x9E00] =	vst v63  }
0x94: {  	_ =	swait.ge [sflag:s14], $0x2780  }
0x95: {  	[sflag:s14] =	ssyncset.done $0x0  }
0x96: {  	[sflag:s14] =	ssyncadd.s32 $0xFFFFD880  }
0x97: {  	_ =	sfence.sel $0x180000  }
0x98: {  	[bflag:$0x0] =	sbarrier.arrive $0xFFFF  }
0x99: {  	p0 =	sne.s32 s0, $0x0;
	_ =	strace $0x90000047  }
0x9a: {  	s0 =	sadd.s32 @!p0 $0x100000, s1;
	[bflag:$0x2] =	sbarrier.arrive $0xFFFF  }
0x9b: {  	[sflag:s0] =	ssyncadd.tile.s32 @!p0 $0x1;
	_ =	shalt  }
.Lfunc_end2:
_tile_overlayer_lowered:
.L_overlay_start_2:
0x9c: {  	(tag) =	ssettag $0x2  }
0x9d: {  	s0 =	rddreg [dreg:$0x0];
	s2 =	stileid.u32  }
0x9e: {  	s1 =	rddreg [dreg:$0x1];
	p0 =	sne.s32 s2, $0x0  }
0x9f: {  	s3 =	rddreg [dreg:$0x2];
	[bflag:$0x3] =	sbarrier.arrive $0xFFFF;
	s2 =	simm.s32 @!p0 $0x1C04  }
0xa0: {  	[timem:s3], [sflag:s2] =	dma.local @!p0 [hbm:s0], s1  }
0xa1: {  	s0 =	simm.s32 @!p0 $0x4  }
0xa2: {  	_ =	swait.ge @!p0 [sflag:s0], s1  }
0xa3: {  	s1 =	ssub.s32 @!p0 $0x0, s1;
	[sflag:s0] =	ssyncset.done @!p0 $0x0  }
0xa4: {  	[sflag:s0] =	ssyncadd.s32 @!p0 s1  }
0xa5: {  	[bflag:$0x3] =	sbarrier.arrive $0xFFFF  }
0xa6: {  	_ =	shalt  }

</sc_bundles>
